<compile_context>
chip_gen: v7x
topology: tpu7x:2x2x1
jax: 0.10.2.dev20260603
libtpu: 0.0.44.dev20260713+nightly
codegen_flags: <defaults>
</compile_context>

<pallas_src>
import functools

import jax
import jax.numpy as jnp
from jax import lax
from jax.experimental import pallas as pl
from jax.experimental.pallas import tpu as pltpu
from jax.experimental.pallas import tpu_sc as plsc

F = 128
NC = 2
NS = 16
NW = NC * NS
GCH = 64

_mesh = lambda: plsc.VectorSubcoreMesh(core_axis_name="c", subcore_axis_name="s")



def _mm_bias_ehr(a, w, b, ehrp, blk):
    R = a.shape[0]
    nb = ehrp.shape[0]
    nk = R // blk

    def body(a_ref, w_ref, b_ref, e_ref, o_ref, ea_ref, es_ref, acc_ref, s_ref):
        k = pl.program_id(0)

        @pl.when(k == 0)
        def _():
            acc_ref[...] = jnp.zeros_like(acc_ref)
            s_ref[...] = jnp.zeros_like(s_ref)

        h = jnp.dot(a_ref[...], w_ref[...],
                    preferred_element_type=jnp.float32) + b_ref[...]
        o_ref[...] = h
        e = e_ref[...]
        acc_ref[...] += jnp.dot(e, h, preferred_element_type=jnp.float32)
        s_ref[...] += jnp.broadcast_to(jnp.sum(e, axis=1, keepdims=True), (nb, F))

        @pl.when(k == nk - 1)
        def _():
            ea_ref[...] = acc_ref[...]
            es_ref[...] = s_ref[...]

    return pl.pallas_call(
        body,
        grid=(nk,),
        in_specs=[
            pl.BlockSpec((blk, F), lambda i: (i, 0)),
            pl.BlockSpec((F, F), lambda i: (0, 0)),
            pl.BlockSpec((1, F), lambda i: (0, 0)),
            pl.BlockSpec((nb, blk), lambda i: (0, i)),
        ],
        out_specs=[
            pl.BlockSpec((blk, F), lambda i: (i, 0)),
            pl.BlockSpec((nb, F), lambda i: (0, 0)),
            pl.BlockSpec((nb, F), lambda i: (0, 0)),
        ],
        out_shape=[
            jax.ShapeDtypeStruct((R, F), jnp.float32),
            jax.ShapeDtypeStruct((nb, F), jnp.float32),
            jax.ShapeDtypeStruct((nb, F), jnp.float32),
        ],
        scratch_shapes=[
            pltpu.VMEM((nb, F), jnp.float32),
            pltpu.VMEM((nb, F), jnp.float32),
        ],
    )(a, w, b, ehrp)


def _conv(x, aggs, w, b, blk):
    R = x.shape[0]

    def body(x_ref, g_ref, w_ref, b_ref, o_ref):
        h = x_ref[...] + g_ref[0] + g_ref[1]
        o_ref[...] = jnp.maximum(
            jnp.dot(h, w_ref[...], preferred_element_type=jnp.float32) + b_ref[...],
            0.0)

    return pl.pallas_call(
        body,
        grid=(R // blk,),
        in_specs=[
            pl.BlockSpec((blk, F), lambda i: (i, 0)),
            pl.BlockSpec((2, blk, F), lambda i: (0, i, 0)),
            pl.BlockSpec((F, F), lambda i: (0, 0)),
            pl.BlockSpec((1, F), lambda i: (0, 0)),
        ],
        out_specs=pl.BlockSpec((blk, F), lambda i: (i, 0)),
        out_shape=jax.ShapeDtypeStruct((R, F), jnp.float32),
    )(x, aggs, w, b)


def _conv_pool_head(x, aggs, w, b, batch3, eacc, es, mlp_w, mlp_b, blk):
    R = x.shape[0]
    nb = eacc.shape[0]
    nk = R // blk

    def body(x_ref, g_ref, w_ref, b_ref, bt_ref, ea_ref, es_ref, mw_ref, mb_ref,
             o_ref, acc_ref, cnt_ref):
        k = pl.program_id(0)

        @pl.when(k == 0)
        def _():
            acc_ref[...] = jnp.zeros_like(acc_ref)
            cnt_ref[...] = jnp.zeros_like(cnt_ref)

        h = x_ref[...] + g_ref[0] + g_ref[1]
        x2 = jnp.maximum(
            jnp.dot(h, w_ref[...], preferred_element_type=jnp.float32) + b_ref[...],
            0.0)
        bv = bt_ref[0]
        seg = lax.broadcasted_iota(jnp.int32, (nb, blk), 0)
        mask = (seg == bv).astype(jnp.float32)
        acc_ref[...] += jnp.dot(mask, x2, preferred_element_type=jnp.float32)
        cnt_ref[...] += jnp.broadcast_to(
            jnp.sum(mask, axis=1, keepdims=True), (nb, F))

        @pl.when(k == nk - 1)
        def _():
            xg = acc_ref[...] / jnp.maximum(cnt_ref[...], 1.0)
            xn = ea_ref[...] / es_ref[...]
            o_ref[...] = (
                jnp.dot(xg, mw_ref[0:F, :], preferred_element_type=jnp.float32)
                + jnp.dot(xn, mw_ref[F:2 * F, :], preferred_element_type=jnp.float32)
                + mb_ref[...])

    return pl.pallas_call(
        body,
        grid=(nk,),
        in_specs=[
            pl.BlockSpec((blk, F), lambda i: (i, 0)),
            pl.BlockSpec((2, blk, F), lambda i: (0, i, 0)),
            pl.BlockSpec((F, F), lambda i: (0, 0)),
            pl.BlockSpec((1, F), lambda i: (0, 0)),
            pl.BlockSpec((1, 1, blk), lambda i: (i, 0, 0)),
            pl.BlockSpec((nb, F), lambda i: (0, 0)),
            pl.BlockSpec((nb, F), lambda i: (0, 0)),
            pl.BlockSpec((2 * F, F), lambda i: (0, 0)),
            pl.BlockSpec((1, F), lambda i: (0, 0)),
        ],
        out_specs=pl.BlockSpec((nb, F), lambda i: (0, 0)),
        out_shape=jax.ShapeDtypeStruct((nb, F), jnp.float32),
        scratch_shapes=[
            pltpu.VMEM((nb, F), jnp.float32),
            pltpu.VMEM((nb, F), jnp.float32),
        ],
    )(x, aggs, w, b, batch3, eacc, es, mlp_w, mlp_b)



@functools.partial(jax.jit, static_argnums=(2,))
def _sc_gather(table, ids3d, xpad):
    ch = xpad // NW // GCH
    rpt = xpad // NW

    @functools.partial(
        pl.kernel,
        out_type=jax.ShapeDtypeStruct((xpad, F), jnp.float32),
        mesh=_mesh(),
        scratch_types=[
            pltpu.VMEM((ch, GCH), jnp.int32),
            pltpu.VMEM((GCH, F), jnp.float32),
            pltpu.VMEM((GCH, F), jnp.float32),
            pltpu.SemaphoreType.DMA,
            pltpu.SemaphoreType.DMA,
        ],
    )
    def gk(table_hbm, ids_hbm, out_hbm, idsv, rows0, rows1, sem0, sem1):
        rows = (rows0, rows1)
        sem = (sem0, sem1)
        c = lax.axis_index("c")
        s = lax.axis_index("s")
        wid = s * NC + c
        pltpu.sync_copy(ids_hbm.at[wid], idsv)
        pltpu.async_copy(table_hbm.at[idsv.at[0]], rows0, sem0)
        for k in range(ch):
            b = k % 2
            pltpu.make_async_copy(table_hbm.at[idsv.at[k]], rows[b],
                                  sem[b]).wait()
            if k + 1 < ch:
                pltpu.async_copy(table_hbm.at[idsv.at[k + 1]], rows[1 - b],
                                 sem[1 - b])
            pltpu.sync_copy(rows[b], out_hbm.at[pl.ds(wid * rpt + k * GCH, GCH)])

    return gk(table, ids3d)


ECH = 100


@functools.partial(jax.jit, static_argnums=(3, 4))
def _sc_edge_agg(x, sdx, zeros_hbm, xpad, epc):
    rps = xpad // NS

    @functools.partial(
        pl.kernel,
        out_type=jax.ShapeDtypeStruct((NC, xpad, F), jnp.float32),
        mesh=_mesh(),
        scratch_types=[
            pltpu.VMEM((2, ECH), jnp.int32),
            pltpu.VMEM((2, ECH), jnp.int32),
            pltpu.VMEM((ECH, F), jnp.float32),
            pltpu.VMEM((ECH, F), jnp.float32),
            pltpu.VMEM_SHARED((xpad, F), jnp.float32),
            pltpu.SemaphoreType.DMA,
            pltpu.SemaphoreType.DMA,
            pltpu.SemaphoreType.DMA,
            pltpu.SemaphoreType.DMA,
        ],
    )
    def ek(x_hbm, sdx_hbm, z_hbm, out_hbm,
           sdxv0, sdxv1, rows0, rows1, aggs, gsem0, gsem1, isem0, isem1):
        c = lax.axis_index("c")
        s = lax.axis_index("s")
        wid = s * NC + c
        pltpu.sync_copy(z_hbm.at[pl.ds(s * rps, rps)], aggs.at[pl.ds(s * rps, rps)])
        plsc.subcore_barrier()

        pltpu.sync_copy(sdx_hbm.at[wid, 0], sdxv0)
        pltpu.async_copy(x_hbm.at[sdxv0.at[0]], rows0, gsem0)
        pltpu.async_copy(sdx_hbm.at[wid, 1], sdxv1, isem1)

        def body(i, carry):
            k0 = i * 2
            pltpu.make_async_copy(x_hbm.at[sdxv0.at[0]], rows0, gsem0).wait()
            pltpu.make_async_copy(sdx_hbm.at[wid, k0 + 1], sdxv1, isem1).wait()
            pltpu.async_copy(x_hbm.at[sdxv1.at[0]], rows1, gsem1)
            pltpu.sync_copy(rows0, aggs.at[sdxv0.at[1]], add=True)
            pltpu.async_copy(sdx_hbm.at[wid, k0 + 2], sdxv0, isem0)
            pltpu.make_async_copy(x_hbm.at[sdxv1.at[0]], rows1, gsem1).wait()
            pltpu.make_async_copy(sdx_hbm.at[wid, k0 + 2], sdxv0, isem0).wait()
            pltpu.async_copy(x_hbm.at[sdxv0.at[0]], rows0, gsem0)
            pltpu.sync_copy(rows1, aggs.at[sdxv1.at[1]], add=True)
            pltpu.async_copy(sdx_hbm.at[wid, k0 + 3], sdxv1, isem1)
            return carry

        lax.fori_loop(0, epc // 2, body, 0)
        pltpu.make_async_copy(x_hbm.at[sdxv0.at[0]], rows0, gsem0).wait()
        pltpu.make_async_copy(sdx_hbm.at[wid, 0], sdxv1, isem1).wait()
        plsc.subcore_barrier()
        pltpu.sync_copy(aggs.at[pl.ds(s * rps, rps)],
                        out_hbm.at[c, pl.ds(s * rps, rps)])

    return ek(x, sdx, zeros_hbm)



@jax.jit
def kernel(cat_node_ids, cat_edge_ids, cat_edge_index, batch, visit_nodes, ehr_nodes,
           node_emb, edge_emb, lin_W, lin_b, beta_W, beta_b, conv_W, conv_b, mlp_W, mlp_b):
    N = cat_node_ids.shape[0]
    E = cat_edge_index.shape[1]
    NUMN1 = node_emb.shape[0]
    NB = ehr_nodes.shape[0]
    NLAYER = conv_W.shape[0]

    grp = NW * GCH
    XPAD = grp * (-(-N // grp))
    egrp = NW * ECH
    epc = -(-E // egrp)
    epc += epc % 2
    EPAD = egrp * epc
    HPAD = 1024 * (-(-NUMN1 // 1024))

    ids3d = jnp.pad(cat_node_ids.astype(jnp.int32), (0, XPAD - N)) \
        .reshape(NW, XPAD // NW // GCH, GCH)
    src3d = jnp.pad(cat_edge_index[0].astype(jnp.int32), (0, EPAD - E)) \
        .reshape(NW, epc, ECH)
    dst3d = jnp.pad(cat_edge_index[1].astype(jnp.int32), (0, EPAD - E),
                    constant_values=N).reshape(NW, epc, ECH)
    sdx = jnp.pad(jnp.stack([src3d, dst3d], axis=2),
                  ((0, 0), (0, 2), (0, 0), (0, 0)))
    nep = jnp.pad(node_emb.astype(jnp.float32), ((0, HPAD - NUMN1), (0, 0)))
    ehrp = jnp.pad(ehr_nodes.astype(jnp.float32), ((0, 0), (0, HPAD - NUMN1)))
    zeros_hbm = jnp.zeros((XPAD, F), jnp.float32)
    batch3 = jnp.pad(batch.astype(jnp.int32), (0, XPAD - N),
                     constant_values=NB).reshape(XPAD // 512, 1, 512)
    lb = lin_b.reshape(1, F).astype(jnp.float32)

    H, eacc, es = _mm_bias_ehr(nep, lin_W.astype(jnp.float32), lb, ehrp, 512)
    x = _sc_gather(H, ids3d, XPAD)
    for l in range(NLAYER - 1):
        aggs = _sc_edge_agg(x, sdx, zeros_hbm, XPAD, epc)
        x = _conv(x, aggs, conv_W[l].astype(jnp.float32),
                  conv_b[l].reshape(1, F).astype(jnp.float32), 512)
    aggs = _sc_edge_agg(x, sdx, zeros_hbm, XPAD, epc)
    logits = _conv_pool_head(
        x, aggs, conv_W[NLAYER - 1].astype(jnp.float32),
        conv_b[NLAYER - 1].reshape(1, F).astype(jnp.float32),
        batch3, eacc, es, mlp_W.astype(jnp.float32),
        mlp_b.reshape(1, F).astype(jnp.float32), 512)
    return logits

# --- scband reference (transcript-rebuilt; emitter-appended) ---
"""Pipeline reference for scband-graph-care-79860621902251 (READ-ONLY COPY).

The authoritative reference and input builder live on the scoring server;
editing this copy changes nothing except your own understanding.
"""

import jax, jax.numpy as jnp
import numpy as np

B = 16
MAXV = 20
NUMN = 10000
NEDGE = 500
EMB = 128
HID = 128
OUT = 128
NLAYER = 2
N = 10000
E = 320000
DECAY = 0.01


def setup_inputs(seed: int = 0) -> dict:
    key = jax.random.key(seed)
    ks = jax.random.split(key, 16)
    inp = {}
    inp["cat_node_ids"] = jax.random.randint(ks[0], (N,), 0, NUMN)
    inp["cat_edge_ids"] = jax.random.randint(ks[1], (E,), 0, NEDGE + 1)
    inp["cat_edge_index"] = jax.random.randint(ks[2], (2, E), 0, N)
    inp["batch"] = jnp.sort(jax.random.randint(ks[3], (N,), 0, B))
    inp["visit_nodes"] = jax.random.uniform(ks[4], (B, MAXV, NUMN + 1), dtype=jnp.float32)
    inp["ehr_nodes"] = jax.random.uniform(ks[5], (B, NUMN + 1), dtype=jnp.float32)
    # learned parameters
    inp["node_emb"] = jax.random.normal(ks[6], (NUMN + 1, EMB), dtype=jnp.float32) * 0.02
    inp["edge_emb"] = jax.random.normal(ks[7], (NEDGE + 1, EMB), dtype=jnp.float32) * 0.02
    inp["lin_W"] = jax.random.normal(ks[8], (EMB, HID), dtype=jnp.float32) * 0.05
    inp["lin_b"] = jnp.zeros((HID,), dtype=jnp.float32)
    inp["beta_W"] = jax.random.normal(ks[9], (NLAYER, NUMN + 1, 1), dtype=jnp.float32) * 0.02
    inp["beta_b"] = jnp.zeros((NLAYER, 1), dtype=jnp.float32)
    inp["conv_W"] = jax.random.normal(ks[10], (NLAYER, HID, HID), dtype=jnp.float32) * 0.05
    inp["conv_b"] = jnp.zeros((NLAYER, HID), dtype=jnp.float32)
    inp["mlp_W"] = jax.random.normal(ks[11], (2 * HID, OUT), dtype=jnp.float32) * 0.05
    inp["mlp_b"] = jnp.zeros((OUT,), dtype=jnp.float32)
    return inp


def reference(cat_node_ids, cat_edge_ids, cat_edge_index, batch, visit_nodes, ehr_nodes,
              node_emb, edge_emb, lin_W, lin_b, beta_W, beta_b, conv_W, conv_b, mlp_W, mlp_b):
    # lambda_j decay weights over visits
    j = jnp.arange(MAXV, dtype=jnp.float32)
    lambda_j = jnp.exp(DECAY * (MAXV - j)).reshape(1, MAXV, 1)

    # embedding lookups (gather)
    x = jnp.take(node_emb, cat_node_ids, axis=0)
    edge_attr = jnp.take(edge_emb, cat_edge_ids, axis=0)
    x = x @ lin_W + lin_b
    edge_attr = edge_attr @ lin_W + lin_b  # computed per original; unused by GIN conv

    src = cat_edge_index[0]
    dst = cat_edge_index[1]

    for l in range(NLAYER):
        # beta attention (use_beta=True, use_alpha=False)
        beta = jnp.tanh(visit_nodes @ beta_W[l] + beta_b[l]) * lambda_j  # [B, MAXV, 1]
        attn = beta * jnp.ones((B, MAXV, NUMN), dtype=jnp.float32)
        attn = jnp.sum(attn, axis=1)  # [B, NUMN]
        xj_node_ids = jnp.take(cat_node_ids, src)
        xj_batch = jnp.take(batch, src)
        attn_e = attn[xj_batch, xj_node_ids].reshape(-1, 1)  # computed per original; GIN ignores it
        # GINConv (eps=0): x' = Lin(x + sum_{j->i} x_j), scatter-add over edges
        agg = jax.ops.segment_sum(jnp.take(x, src, axis=0), dst, num_segments=N)
        x = (x + agg) @ conv_W[l] + conv_b[l]
        x = jax.nn.relu(x)
        # dropout is identity in eval mode

    # global mean pool over patient graphs
    counts = jax.ops.segment_sum(jnp.ones((N,), dtype=jnp.float32), batch, num_segments=B)
    x_graph = jax.ops.segment_sum(x, batch, num_segments=B) / jnp.maximum(counts, 1.0)[:, None]

    # node branch: weighted mean of node embeddings per patient
    x_node = (ehr_nodes @ node_emb) / jnp.sum(ehr_nodes, axis=1, keepdims=True)
    x_node = x_node @ lin_W + lin_b

    x_concat = jnp.concatenate([x_graph, x_node], axis=1)
    logits = x_concat @ mlp_W + mlp_b
    return logits

if __name__ == "__main__":
    import jax
    _d = setup_inputs()
    print(jax.jit(kernel)(*tuple(_d.values())))

</pallas_src>

<mosaic_0001>
#map = affine_map<(d0, d1) -> (0, 0)>
#map1 = affine_map<(d0, d1) -> (0, 0, 0)>
module attributes {stable_mosaic.version = 14 : i64} {
  func.func @gk(%arg0: i32, %arg1: i32, %arg2: memref<10240x128xf32, #tpu.memory_space<hbm>>, %arg3: memref<32x5x64xi32, #tpu.memory_space<hbm>>, %arg4: memref<10240x128xf32, #tpu.memory_space<hbm>>, %arg5: memref<5x64xi32, #tpu.memory_space<vmem>>, %arg6: memref<64x128xf32, #tpu.memory_space<vmem>>, %arg7: memref<64x128xf32, #tpu.memory_space<vmem>>, %arg8: memref<!tpu.dma_semaphore, #tpu.memory_space<semaphore_mem>>, %arg9: memref<!tpu.dma_semaphore, #tpu.memory_space<semaphore_mem>>) attributes {dimension_semantics = [#tpu.dimension_semantics<core_parallel>, #tpu.dimension_semantics<subcore_parallel>], iteration_bounds = array<i64: 2, 16>, scalar_prefetch = 0 : i64, scratch_operands = 5 : i64, tpu.core_type = #tpu.core_type<sc_vector_subcore>, window_params = [{transform_indices = #map}, {transform_indices = #map1}, {transform_indices = #map}]} {
    %mul3A = arith.constant 2 : i32
    %mul3A_0 = arith.muli %arg1, %mul3A : i32
    %add3A = arith.addi %mul3A_0, %arg0 : i32
    "tpu.region"() ({
      %run_scoped3A = tpu.sem_alloc : memref<!tpu.dma_semaphore, #tpu.memory_space<semaphore_mem>>
      %dma_start3A_89 = arith.constant 0 : i32
      %dma_start3A_90 = arith.constant 0 : i32
      %dma_start3A_91 = tpu.memref_slice %arg3[%add3A, %dma_start3A_89, %dma_start3A_90] : memref<32x5x64xi32, #tpu.memory_space<hbm>> -> memref<1x5x64xi32, #tpu.memory_space<hbm>>
      %dma_start3A_92 = tpu.memref_squeeze %dma_start3A_91 : memref<1x5x64xi32, #tpu.memory_space<hbm>> -> memref<5x64xi32, #tpu.memory_space<hbm>>
      %dma_start3A_93 = arith.constant 0 : i32
      %dma_start3A_94 = arith.constant 0 : i32
      %dma_start3A_95 = tpu.memref_slice %arg3[%add3A, %dma_start3A_93, %dma_start3A_94] : memref<32x5x64xi32, #tpu.memory_space<hbm>> -> memref<1x5x64xi32, #tpu.memory_space<hbm>>
      %dma_start3A_96 = tpu.memref_squeeze %dma_start3A_95 : memref<1x5x64xi32, #tpu.memory_space<hbm>> -> memref<5x64xi32, #tpu.memory_space<hbm>>
      tpu.enqueue_dma source(%dma_start3A_96 : memref<5x64xi32, #tpu.memory_space<hbm>>) target(%arg5 : memref<5x64xi32, #tpu.memory_space<vmem>>) target_semaphore(%run_scoped3A : memref<!tpu.dma_semaphore, #tpu.memory_space<semaphore_mem>>)
      %dma_wait3A_97 = arith.constant 0 : i32
      %dma_wait3A_98 = arith.constant 0 : i32
      %dma_wait3A_99 = tpu.memref_slice %arg3[%add3A, %dma_wait3A_97, %dma_wait3A_98] : memref<32x5x64xi32, #tpu.memory_space<hbm>> -> memref<1x5x64xi32, #tpu.memory_space<hbm>>
      %dma_wait3A_100 = tpu.memref_squeeze %dma_wait3A_99 : memref<1x5x64xi32, #tpu.memory_space<hbm>> -> memref<5x64xi32, #tpu.memory_space<hbm>>
      %dma_wait3A_101 = arith.constant 0 : i32
      %dma_wait3A_102 = arith.constant 0 : i32
      %dma_wait3A_103 = tpu.memref_slice %arg3[%add3A, %dma_wait3A_101, %dma_wait3A_102] : memref<32x5x64xi32, #tpu.memory_space<hbm>> -> memref<1x5x64xi32, #tpu.memory_space<hbm>>
      %dma_wait3A_104 = tpu.memref_squeeze %dma_wait3A_103 : memref<1x5x64xi32, #tpu.memory_space<hbm>> -> memref<5x64xi32, #tpu.memory_space<hbm>>
      tpu.wait_dma2 semaphore(%run_scoped3A : memref<!tpu.dma_semaphore, #tpu.memory_space<semaphore_mem>>) src(%dma_wait3A_104 : memref<5x64xi32, #tpu.memory_space<hbm>>) dst(%arg5 : memref<5x64xi32, #tpu.memory_space<vmem>>)
      tpu.yield
    }) : () -> ()
    %dma_start3A = arith.constant 0 : i32
    %dma_start3A_1 = arith.constant 0 : i32
    %dma_start3A_2 = tpu.memref_slice %arg5[%dma_start3A, %dma_start3A_1] : memref<5x64xi32, #tpu.memory_space<vmem>> -> memref<1x64xi32, #tpu.memory_space<vmem>>
    %dma_start3A_3 = tpu.memref_squeeze %dma_start3A_2 : memref<1x64xi32, #tpu.memory_space<vmem>> -> memref<64xi32, #tpu.memory_space<vmem>>
    %dma_start3A_4 = arith.constant 0 : i32
    %dma_start3A_5 = arith.constant 0 : i32
    %dma_start3A_6 = tpu.memref_slice %arg2[%dma_start3A_4, %dma_start3A_5] : memref<10240x128xf32, #tpu.memory_space<hbm>> -> memref<10240x128xf32, #tpu.memory_space<hbm>>
    tpu.enqueue_indirect_dma source(%dma_start3A_6 : memref<10240x128xf32, #tpu.memory_space<hbm>>) target(%arg6 : memref<64x128xf32, #tpu.memory_space<vmem>>) offsets(%dma_start3A_3 : memref<64xi32, #tpu.memory_space<vmem>>) semaphore(%arg8 : memref<!tpu.dma_semaphore, #tpu.memory_space<semaphore_mem>>)
    %dma_wait3A = arith.constant 0 : i32
    %dma_wait3A_7 = arith.constant 0 : i32
    %dma_wait3A_8 = tpu.memref_slice %arg5[%dma_wait3A, %dma_wait3A_7] : memref<5x64xi32, #tpu.memory_space<vmem>> -> memref<1x64xi32, #tpu.memory_space<vmem>>
    %dma_wait3A_9 = tpu.memref_squeeze %dma_wait3A_8 : memref<1x64xi32, #tpu.memory_space<vmem>> -> memref<64xi32, #tpu.memory_space<vmem>>
    %dma_wait3A_10 = arith.constant 0 : i32
    %dma_wait3A_11 = arith.constant 0 : i32
    %dma_wait3A_12 = tpu.memref_slice %arg2[%dma_wait3A_10, %dma_wait3A_11] : memref<10240x128xf32, #tpu.memory_space<hbm>> -> memref<10240x128xf32, #tpu.memory_space<hbm>>
    tpu.wait_indirect_dma semaphore(%arg8 : memref<!tpu.dma_semaphore, #tpu.memory_space<semaphore_mem>>) src(%dma_wait3A_12 : memref<10240x128xf32, #tpu.memory_space<hbm>>) dst(%arg6 : memref<64x128xf32, #tpu.memory_space<vmem>>)
    %dma_start3A_13 = arith.constant 1 : i32
    %dma_start3A_14 = arith.constant 0 : i32
    %dma_start3A_15 = tpu.memref_slice %arg5[%dma_start3A_13, %dma_start3A_14] : memref<5x64xi32, #tpu.memory_space<vmem>> -> memref<1x64xi32, #tpu.memory_space<vmem>>
    %dma_start3A_16 = tpu.memref_squeeze %dma_start3A_15 : memref<1x64xi32, #tpu.memory_space<vmem>> -> memref<64xi32, #tpu.memory_space<vmem>>
    %dma_start3A_17 = arith.constant 0 : i32
    %dma_start3A_18 = arith.constant 0 : i32
    %dma_start3A_19 = tpu.memref_slice %arg2[%dma_start3A_17, %dma_start3A_18] : memref<10240x128xf32, #tpu.memory_space<hbm>> -> memref<10240x128xf32, #tpu.memory_space<hbm>>
    tpu.enqueue_indirect_dma source(%dma_start3A_19 : memref<10240x128xf32, #tpu.memory_space<hbm>>) target(%arg7 : memref<64x128xf32, #tpu.memory_space<vmem>>) offsets(%dma_start3A_16 : memref<64xi32, #tpu.memory_space<vmem>>) semaphore(%arg9 : memref<!tpu.dma_semaphore, #tpu.memory_space<semaphore_mem>>)
    %mul3A_20 = arith.constant 320 : i32
    %mul3A_21 = arith.muli %add3A, %mul3A_20 : i32
    %add3A_22 = arith.constant 0 : i32
    %add3A_23 = arith.addi %mul3A_21, %add3A_22 : i32
    "tpu.region"() ({
      %run_scoped3A = tpu.sem_alloc : memref<!tpu.dma_semaphore, #tpu.memory_space<semaphore_mem>>
      %dma_start3A_89 = arith.constant 0 : i32
      %dma_start3A_90 = tpu.memref_slice %arg4[%add3A_23, %dma_start3A_89] : memref<10240x128xf32, #tpu.memory_space<hbm>> -> memref<64x128xf32, #tpu.memory_space<hbm>>
      %dma_start3A_91 = arith.constant 0 : i32
      %dma_start3A_92 = tpu.memref_slice %arg4[%add3A_23, %dma_start3A_91] : memref<10240x128xf32, #tpu.memory_space<hbm>> -> memref<64x128xf32, #tpu.memory_space<hbm>>
      tpu.enqueue_dma source(%arg6 : memref<64x128xf32, #tpu.memory_space<vmem>>) target(%dma_start3A_92 : memref<64x128xf32, #tpu.memory_space<hbm>>) target_semaphore(%run_scoped3A : memref<!tpu.dma_semaphore, #tpu.memory_space<semaphore_mem>>)
      %dma_wait3A_93 = arith.constant 0 : i32
      %dma_wait3A_94 = tpu.memref_slice %arg4[%add3A_23, %dma_wait3A_93] : memref<10240x128xf32, #tpu.memory_space<hbm>> -> memref<64x128xf32, #tpu.memory_space<hbm>>
      %dma_wait3A_95 = arith.constant 0 : i32
      %dma_wait3A_96 = tpu.memref_slice %arg4[%add3A_23, %dma_wait3A_95] : memref<10240x128xf32, #tpu.memory_space<hbm>> -> memref<64x128xf32, #tpu.memory_space<hbm>>
      tpu.wait_dma2 semaphore(%run_scoped3A : memref<!tpu.dma_semaphore, #tpu.memory_space<semaphore_mem>>) src(%arg6 : memref<64x128xf32, #tpu.memory_space<vmem>>) dst(%dma_wait3A_96 : memref<64x128xf32, #tpu.memory_space<hbm>>)
      tpu.yield
    }) : () -> ()
    %dma_wait3A_24 = arith.constant 1 : i32
    %dma_wait3A_25 = arith.constant 0 : i32
    %dma_wait3A_26 = tpu.memref_slice %arg5[%dma_wait3A_24, %dma_wait3A_25] : memref<5x64xi32, #tpu.memory_space<vmem>> -> memref<1x64xi32, #tpu.memory_space<vmem>>
    %dma_wait3A_27 = tpu.memref_squeeze %dma_wait3A_26 : memref<1x64xi32, #tpu.memory_space<vmem>> -> memref<64xi32, #tpu.memory_space<vmem>>
    %dma_wait3A_28 = arith.constant 0 : i32
    %dma_wait3A_29 = arith.constant 0 : i32
    %dma_wait3A_30 = tpu.memref_slice %arg2[%dma_wait3A_28, %dma_wait3A_29] : memref<10240x128xf32, #tpu.memory_space<hbm>> -> memref<10240x128xf32, #tpu.memory_space<hbm>>
    tpu.wait_indirect_dma semaphore(%arg9 : memref<!tpu.dma_semaphore, #tpu.memory_space<semaphore_mem>>) src(%dma_wait3A_30 : memref<10240x128xf32, #tpu.memory_space<hbm>>) dst(%arg7 : memref<64x128xf32, #tpu.memory_space<vmem>>)
    %dma_start3A_31 = arith.constant 2 : i32
    %dma_start3A_32 = arith.constant 0 : i32
    %dma_start3A_33 = tpu.memref_slice %arg5[%dma_start3A_31, %dma_start3A_32] : memref<5x64xi32, #tpu.memory_space<vmem>> -> memref<1x64xi32, #tpu.memory_space<vmem>>
    %dma_start3A_34 = tpu.memref_squeeze %dma_start3A_33 : memref<1x64xi32, #tpu.memory_space<vmem>> -> memref<64xi32, #tpu.memory_space<vmem>>
    %dma_start3A_35 = arith.constant 0 : i32
    %dma_start3A_36 = arith.constant 0 : i32
    %dma_start3A_37 = tpu.memref_slice %arg2[%dma_start3A_35, %dma_start3A_36] : memref<10240x128xf32, #tpu.memory_space<hbm>> -> memref<10240x128xf32, #tpu.memory_space<hbm>>
    tpu.enqueue_indirect_dma source(%dma_start3A_37 : memref<10240x128xf32, #tpu.memory_space<hbm>>) target(%arg6 : memref<64x128xf32, #tpu.memory_space<vmem>>) offsets(%dma_start3A_34 : memref<64xi32, #tpu.memory_space<vmem>>) semaphore(%arg8 : memref<!tpu.dma_semaphore, #tpu.memory_space<semaphore_mem>>)
    %mul3A_38 = arith.constant 320 : i32
    %mul3A_39 = arith.muli %add3A, %mul3A_38 : i32
    %add3A_40 = arith.constant 64 : i32
    %add3A_41 = arith.addi %mul3A_39, %add3A_40 : i32
    "tpu.region"() ({
      %run_scoped3A = tpu.sem_alloc : memref<!tpu.dma_semaphore, #tpu.memory_space<semaphore_mem>>
      %dma_start3A_89 = arith.constant 0 : i32
      %dma_start3A_90 = tpu.memref_slice %arg4[%add3A_41, %dma_start3A_89] : memref<10240x128xf32, #tpu.memory_space<hbm>> -> memref<64x128xf32, #tpu.memory_space<hbm>>
      %dma_start3A_91 = arith.constant 0 : i32
      %dma_start3A_92 = tpu.memref_slice %arg4[%add3A_41, %dma_start3A_91] : memref<10240x128xf32, #tpu.memory_space<hbm>> -> memref<64x128xf32, #tpu.memory_space<hbm>>
      tpu.enqueue_dma source(%arg7 : memref<64x128xf32, #tpu.memory_space<vmem>>) target(%dma_start3A_92 : memref<64x128xf32, #tpu.memory_space<hbm>>) target_semaphore(%run_scoped3A : memref<!tpu.dma_semaphore, #tpu.memory_space<semaphore_mem>>)
      %dma_wait3A_93 = arith.constant 0 : i32
      %dma_wait3A_94 = tpu.memref_slice %arg4[%add3A_41, %dma_wait3A_93] : memref<10240x128xf32, #tpu.memory_space<hbm>> -> memref<64x128xf32, #tpu.memory_space<hbm>>
      %dma_wait3A_95 = arith.constant 0 : i32
      %dma_wait3A_96 = tpu.memref_slice %arg4[%add3A_41, %dma_wait3A_95] : memref<10240x128xf32, #tpu.memory_space<hbm>> -> memref<64x128xf32, #tpu.memory_space<hbm>>
      tpu.wait_dma2 semaphore(%run_scoped3A : memref<!tpu.dma_semaphore, #tpu.memory_space<semaphore_mem>>) src(%arg7 : memref<64x128xf32, #tpu.memory_space<vmem>>) dst(%dma_wait3A_96 : memref<64x128xf32, #tpu.memory_space<hbm>>)
      tpu.yield
    }) : () -> ()
    %dma_wait3A_42 = arith.constant 2 : i32
    %dma_wait3A_43 = arith.constant 0 : i32
    %dma_wait3A_44 = tpu.memref_slice %arg5[%dma_wait3A_42, %dma_wait3A_43] : memref<5x64xi32, #tpu.memory_space<vmem>> -> memref<1x64xi32, #tpu.memory_space<vmem>>
    %dma_wait3A_45 = tpu.memref_squeeze %dma_wait3A_44 : memref<1x64xi32, #tpu.memory_space<vmem>> -> memref<64xi32, #tpu.memory_space<vmem>>
    %dma_wait3A_46 = arith.constant 0 : i32
    %dma_wait3A_47 = arith.constant 0 : i32
    %dma_wait3A_48 = tpu.memref_slice %arg2[%dma_wait3A_46, %dma_wait3A_47] : memref<10240x128xf32, #tpu.memory_space<hbm>> -> memref<10240x128xf32, #tpu.memory_space<hbm>>
    tpu.wait_indirect_dma semaphore(%arg8 : memref<!tpu.dma_semaphore, #tpu.memory_space<semaphore_mem>>) src(%dma_wait3A_48 : memref<10240x128xf32, #tpu.memory_space<hbm>>) dst(%arg6 : memref<64x128xf32, #tpu.memory_space<vmem>>)
    %dma_start3A_49 = arith.constant 3 : i32
    %dma_start3A_50 = arith.constant 0 : i32
    %dma_start3A_51 = tpu.memref_slice %arg5[%dma_start3A_49, %dma_start3A_50] : memref<5x64xi32, #tpu.memory_space<vmem>> -> memref<1x64xi32, #tpu.memory_space<vmem>>
    %dma_start3A_52 = tpu.memref_squeeze %dma_start3A_51 : memref<1x64xi32, #tpu.memory_space<vmem>> -> memref<64xi32, #tpu.memory_space<vmem>>
    %dma_start3A_53 = arith.constant 0 : i32
    %dma_start3A_54 = arith.constant 0 : i32
    %dma_start3A_55 = tpu.memref_slice %arg2[%dma_start3A_53, %dma_start3A_54] : memref<10240x128xf32, #tpu.memory_space<hbm>> -> memref<10240x128xf32, #tpu.memory_space<hbm>>
    tpu.enqueue_indirect_dma source(%dma_start3A_55 : memref<10240x128xf32, #tpu.memory_space<hbm>>) target(%arg7 : memref<64x128xf32, #tpu.memory_space<vmem>>) offsets(%dma_start3A_52 : memref<64xi32, #tpu.memory_space<vmem>>) semaphore(%arg9 : memref<!tpu.dma_semaphore, #tpu.memory_space<semaphore_mem>>)
    %mul3A_56 = arith.constant 320 : i32
    %mul3A_57 = arith.muli %add3A, %mul3A_56 : i32
    %add3A_58 = arith.constant 128 : i32
    %add3A_59 = arith.addi %mul3A_57, %add3A_58 : i32
    "tpu.region"() ({
      %run_scoped3A = tpu.sem_alloc : memref<!tpu.dma_semaphore, #tpu.memory_space<semaphore_mem>>
      %dma_start3A_89 = arith.constant 0 : i32
      %dma_start3A_90 = tpu.memref_slice %arg4[%add3A_59, %dma_start3A_89] : memref<10240x128xf32, #tpu.memory_space<hbm>> -> memref<64x128xf32, #tpu.memory_space<hbm>>
      %dma_start3A_91 = arith.constant 0 : i32
      %dma_start3A_92 = tpu.memref_slice %arg4[%add3A_59, %dma_start3A_91] : memref<10240x128xf32, #tpu.memory_space<hbm>> -> memref<64x128xf32, #tpu.memory_space<hbm>>
      tpu.enqueue_dma source(%arg6 : memref<64x128xf32, #tpu.memory_space<vmem>>) target(%dma_start3A_92 : memref<64x128xf32, #tpu.memory_space<hbm>>) target_semaphore(%run_scoped3A : memref<!tpu.dma_semaphore, #tpu.memory_space<semaphore_mem>>)
      %dma_wait3A_93 = arith.constant 0 : i32
      %dma_wait3A_94 = tpu.memref_slice %arg4[%add3A_59, %dma_wait3A_93] : memref<10240x128xf32, #tpu.memory_space<hbm>> -> memref<64x128xf32, #tpu.memory_space<hbm>>
      %dma_wait3A_95 = arith.constant 0 : i32
      %dma_wait3A_96 = tpu.memref_slice %arg4[%add3A_59, %dma_wait3A_95] : memref<10240x128xf32, #tpu.memory_space<hbm>> -> memref<64x128xf32, #tpu.memory_space<hbm>>
      tpu.wait_dma2 semaphore(%run_scoped3A : memref<!tpu.dma_semaphore, #tpu.memory_space<semaphore_mem>>) src(%arg6 : memref<64x128xf32, #tpu.memory_space<vmem>>) dst(%dma_wait3A_96 : memref<64x128xf32, #tpu.memory_space<hbm>>)
      tpu.yield
    }) : () -> ()
    %dma_wait3A_60 = arith.constant 3 : i32
    %dma_wait3A_61 = arith.constant 0 : i32
    %dma_wait3A_62 = tpu.memref_slice %arg5[%dma_wait3A_60, %dma_wait3A_61] : memref<5x64xi32, #tpu.memory_space<vmem>> -> memref<1x64xi32, #tpu.memory_space<vmem>>
    %dma_wait3A_63 = tpu.memref_squeeze %dma_wait3A_62 : memref<1x64xi32, #tpu.memory_space<vmem>> -> memref<64xi32, #tpu.memory_space<vmem>>
    %dma_wait3A_64 = arith.constant 0 : i32
    %dma_wait3A_65 = arith.constant 0 : i32
    %dma_wait3A_66 = tpu.memref_slice %arg2[%dma_wait3A_64, %dma_wait3A_65] : memref<10240x128xf32, #tpu.memory_space<hbm>> -> memref<10240x128xf32, #tpu.memory_space<hbm>>
    tpu.wait_indirect_dma semaphore(%arg9 : memref<!tpu.dma_semaphore, #tpu.memory_space<semaphore_mem>>) src(%dma_wait3A_66 : memref<10240x128xf32, #tpu.memory_space<hbm>>) dst(%arg7 : memref<64x128xf32, #tpu.memory_space<vmem>>)
    %dma_start3A_67 = arith.constant 4 : i32
    %dma_start3A_68 = arith.constant 0 : i32
    %dma_start3A_69 = tpu.memref_slice %arg5[%dma_start3A_67, %dma_start3A_68] : memref<5x64xi32, #tpu.memory_space<vmem>> -> memref<1x64xi32, #tpu.memory_space<vmem>>
    %dma_start3A_70 = tpu.memref_squeeze %dma_start3A_69 : memref<1x64xi32, #tpu.memory_space<vmem>> -> memref<64xi32, #tpu.memory_space<vmem>>
    %dma_start3A_71 = arith.constant 0 : i32
    %dma_start3A_72 = arith.constant 0 : i32
    %dma_start3A_73 = tpu.memref_slice %arg2[%dma_start3A_71, %dma_start3A_72] : memref<10240x128xf32, #tpu.memory_space<hbm>> -> memref<10240x128xf32, #tpu.memory_space<hbm>>
    tpu.enqueue_indirect_dma source(%dma_start3A_73 : memref<10240x128xf32, #tpu.memory_space<hbm>>) target(%arg6 : memref<64x128xf32, #tpu.memory_space<vmem>>) offsets(%dma_start3A_70 : memref<64xi32, #tpu.memory_space<vmem>>) semaphore(%arg8 : memref<!tpu.dma_semaphore, #tpu.memory_space<semaphore_mem>>)
    %mul3A_74 = arith.constant 320 : i32
    %mul3A_75 = arith.muli %add3A, %mul3A_74 : i32
    %add3A_76 = arith.constant 192 : i32
    %add3A_77 = arith.addi %mul3A_75, %add3A_76 : i32
    "tpu.region"() ({
      %run_scoped3A = tpu.sem_alloc : memref<!tpu.dma_semaphore, #tpu.memory_space<semaphore_mem>>
      %dma_start3A_89 = arith.constant 0 : i32
      %dma_start3A_90 = tpu.memref_slice %arg4[%add3A_77, %dma_start3A_89] : memref<10240x128xf32, #tpu.memory_space<hbm>> -> memref<64x128xf32, #tpu.memory_space<hbm>>
      %dma_start3A_91 = arith.constant 0 : i32
      %dma_start3A_92 = tpu.memref_slice %arg4[%add3A_77, %dma_start3A_91] : memref<10240x128xf32, #tpu.memory_space<hbm>> -> memref<64x128xf32, #tpu.memory_space<hbm>>
      tpu.enqueue_dma source(%arg7 : memref<64x128xf32, #tpu.memory_space<vmem>>) target(%dma_start3A_92 : memref<64x128xf32, #tpu.memory_space<hbm>>) target_semaphore(%run_scoped3A : memref<!tpu.dma_semaphore, #tpu.memory_space<semaphore_mem>>)
      %dma_wait3A_93 = arith.constant 0 : i32
      %dma_wait3A_94 = tpu.memref_slice %arg4[%add3A_77, %dma_wait3A_93] : memref<10240x128xf32, #tpu.memory_space<hbm>> -> memref<64x128xf32, #tpu.memory_space<hbm>>
      %dma_wait3A_95 = arith.constant 0 : i32
      %dma_wait3A_96 = tpu.memref_slice %arg4[%add3A_77, %dma_wait3A_95] : memref<10240x128xf32, #tpu.memory_space<hbm>> -> memref<64x128xf32, #tpu.memory_space<hbm>>
      tpu.wait_dma2 semaphore(%run_scoped3A : memref<!tpu.dma_semaphore, #tpu.memory_space<semaphore_mem>>) src(%arg7 : memref<64x128xf32, #tpu.memory_space<vmem>>) dst(%dma_wait3A_96 : memref<64x128xf32, #tpu.memory_space<hbm>>)
      tpu.yield
    }) : () -> ()
    %dma_wait3A_78 = arith.constant 4 : i32
    %dma_wait3A_79 = arith.constant 0 : i32
    %dma_wait3A_80 = tpu.memref_slice %arg5[%dma_wait3A_78, %dma_wait3A_79] : memref<5x64xi32, #tpu.memory_space<vmem>> -> memref<1x64xi32, #tpu.memory_space<vmem>>
    %dma_wait3A_81 = tpu.memref_squeeze %dma_wait3A_80 : memref<1x64xi32, #tpu.memory_space<vmem>> -> memref<64xi32, #tpu.memory_space<vmem>>
    %dma_wait3A_82 = arith.constant 0 : i32
    %dma_wait3A_83 = arith.constant 0 : i32
    %dma_wait3A_84 = tpu.memref_slice %arg2[%dma_wait3A_82, %dma_wait3A_83] : memref<10240x128xf32, #tpu.memory_space<hbm>> -> memref<10240x128xf32, #tpu.memory_space<hbm>>
    tpu.wait_indirect_dma semaphore(%arg8 : memref<!tpu.dma_semaphore, #tpu.memory_space<semaphore_mem>>) src(%dma_wait3A_84 : memref<10240x128xf32, #tpu.memory_space<hbm>>) dst(%arg6 : memref<64x128xf32, #tpu.memory_space<vmem>>)
    %mul3A_85 = arith.constant 320 : i32
    %mul3A_86 = arith.muli %add3A, %mul3A_85 : i32
    %add3A_87 = arith.constant 256 : i32
    %add3A_88 = arith.addi %mul3A_86, %add3A_87 : i32
    "tpu.region"() ({
      %run_scoped3A = tpu.sem_alloc : memref<!tpu.dma_semaphore, #tpu.memory_space<semaphore_mem>>
      %dma_start3A_89 = arith.constant 0 : i32
      %dma_start3A_90 = tpu.memref_slice %arg4[%add3A_88, %dma_start3A_89] : memref<10240x128xf32, #tpu.memory_space<hbm>> -> memref<64x128xf32, #tpu.memory_space<hbm>>
      %dma_start3A_91 = arith.constant 0 : i32
      %dma_start3A_92 = tpu.memref_slice %arg4[%add3A_88, %dma_start3A_91] : memref<10240x128xf32, #tpu.memory_space<hbm>> -> memref<64x128xf32, #tpu.memory_space<hbm>>
      tpu.enqueue_dma source(%arg6 : memref<64x128xf32, #tpu.memory_space<vmem>>) target(%dma_start3A_92 : memref<64x128xf32, #tpu.memory_space<hbm>>) target_semaphore(%run_scoped3A : memref<!tpu.dma_semaphore, #tpu.memory_space<semaphore_mem>>)
      %dma_wait3A_93 = arith.constant 0 : i32
      %dma_wait3A_94 = tpu.memref_slice %arg4[%add3A_88, %dma_wait3A_93] : memref<10240x128xf32, #tpu.memory_space<hbm>> -> memref<64x128xf32, #tpu.memory_space<hbm>>
      %dma_wait3A_95 = arith.constant 0 : i32
      %dma_wait3A_96 = tpu.memref_slice %arg4[%add3A_88, %dma_wait3A_95] : memref<10240x128xf32, #tpu.memory_space<hbm>> -> memref<64x128xf32, #tpu.memory_space<hbm>>
      tpu.wait_dma2 semaphore(%run_scoped3A : memref<!tpu.dma_semaphore, #tpu.memory_space<semaphore_mem>>) src(%arg6 : memref<64x128xf32, #tpu.memory_space<vmem>>) dst(%dma_wait3A_96 : memref<64x128xf32, #tpu.memory_space<hbm>>)
      tpu.yield
    }) : () -> ()
    return
  }
}

</mosaic_0001>

<sc_bundles>
// kernel: _sc_gather.3.cloned.1.call-start
scs
__scs_entry_jumppad:
0x0: {  	(pc) =	sbr.rel $0x88, $3  }
0x1: {  	(tag) =	ssettag $0x0;
	lr =	simm.s32 $0x1  }
0x2: {  	[smem:$0x3F9F] =	sst lr;
	_ =	strace $0xD0000000  }
0x3: {  	_ = 	snop  }
0x4: {  	_ = 	snop  }
0x5: {  	_ = 	snop  }
0x6: {  	_ = 	snop  }
0x7: {  	_ = 	snop  }
__scs_overlays_trampoline_lowered:
0x8: {  	[smem:$0x3FAE] =	sst s0  }
0x9: {  	[smem:$0x3FAF] =	sst s1  }
0xa: {  	[smem:$0x3FB0] =	sst s2  }
0xb: {  	[smem:$0x3FB1] =	sst s3  }
0xc: {  	[smem:$0x3FB2] =	sst s4  }
0xd: {  	[smem:$0x3FB3] =	sst s5  }
0xe: {  	[smem:$0x3FB4] =	sst s6  }
0xf: {  	[smem:$0x3FB5] =	sst s7  }
0x10: {  	[smem:$0x3FB6] =	sst s8  }
0x11: {  	[smem:$0x3FB7] =	sst s9;
	s0 =	simm.s32 @!p0 $0x0  }
0x12: {  	s1 =	sld [smem:$0x3F9D];
	s0 =	simm.s32 @p0 $0x1  }
0x13: {  	[smem:$0x3FB8] =	sst s0;
	s0 =	simm.s32 @!p1 $0x0  }
0x14: {  	s2 =	sld [smem:$0x3F9C];
	s0 =	simm.s32 @p1 $0x1  }
0x15: {  	[smem:$0x3FB9] =	sst s0;
	s0 =	simm.s32 @!p2 $0x0  }
0x16: {  	s3 =	sld [smem:$0x3FDB];
	s0 =	simm.s32 @p2 $0x1  }
0x17: {  	s4 =	simm.s32 $0x1BF5;
	[smem:$0x3FBB] =	sst s0  }
0x18: {  	s0 =	sld [smem:$0x3F9E];
	_ =	swait.ge [sflag:s4], $0x0  }
0x19: {  	s7 =	sld [smem:$0x3F9F]  }
0x1a: {  	s8 =	sadd.s32 $0xFFFFE003, lr  }
0x1b: {  	s9 =	sadd.s32 $0xFFFFFEF7, lr;
	s5 =	simm.s32 $0xFFFFFFFF;
	p2 =	slt.u32 s8, $0xFFFFF086  }
0x1c: {  	p1 =	slt.u32 s9, $0xF7A;
	s5 =	simm.s32 @!p2 $0x0  }
0x1d: {  	s5 =	simm.s32 @p1 $0x1;
	p0 =	seq.s32 s7, s2  }
0x1e: {  	s7 =	smul.u32 @!p0 $0xF7A, s2;
	p2 =	seq.s32 @!p0 s5, $0x0  }
0x1f: {  	s9 =	smul.u32 $0xF7A, s1;
	s8 =	simm.s32 @!p0 $0x1BF5;
	p2 =	por !p2, p0  }
0x20: {  	[sflag:s8] =	ssyncset.s32 @!p0 $0xFFFFF086;
	s6 =	sadd.s32 @!p0 s3, s7;
	s7 =	simm.s32 @!p0 $0x108  }
0x21: {  	s3 =	sadd.s32 s3, s9;
	s6 =	sadd.s32 @!p0 $0x88, s6;
	s7 =	simm.s32 @p2 $0x1082  }
0x22: {  	[simem:s7], [sflag:s8] =	dma.local @!p0 [hbm:s6], $0xF7A  }
0x23: {  	s9 =	sor.u32 $0xD0000000, s2;
	s6 =	simm.s32 $0x108;
	_ =	swait.ge @!p0 [sflag:s8], $0x0  }
0x24: {  	s3 =	sadd.s32 $0x88, s3;
	s6 =	simm.s32 @!p1 $0x1082;
	[sflag:s4] =	ssyncset.s32 $0xFFFFF086  }
0x25: {  	[simem:s6], [sflag:s4] =	dma.local [hbm:s3], $0xF7A  }
0x26: {  	[smem:$0x3F9F] =	sst s1;
	(tag) =	ssettag s2;
	_ =	strace s9  }
0x27: {  	s1 =	sld [smem:$0x3FAF]  }
0x28: {  	s2 =	sld [smem:$0x3FB0]  }
0x29: {  	s4 =	sld [smem:$0x3FB2]  }
0x2a: {  	p0 =	seq.s32 s5, $0x0;
	s5 =	sld [smem:$0x3FB3]  }
0x2b: {  	s6 =	sld [smem:$0x3FB4]  }
0x2c: {  	s7 =	sld [smem:$0x3FB5]  }
0x2d: {  	s3 =	simm.s32 $0x108;
	s8 =	sld [smem:$0x3FB6]  }
0x2e: {  	s3 =	simm.s32 @!p0 $0x1082;
	s9 =	sld [smem:$0x3FB7]  }
0x2f: {  	lr =	sadd.s32 s0, s3;
	s0 =	sld [smem:$0x3FAE]  }
0x30: {  	s3 =	sld [smem:$0x3FB1]  }
0x31: {  	[smem:$0x3FBA] =	sst s10  }
0x32: {  	s10 =	sld [smem:$0x3FB8];
	_ =	sdelay $0x3  }
0x33: {  	p0 =	seq.s32 s10, $0x1;
	s10 =	sld [smem:$0x3FBA];
	_ =	sdelay $0x3  }
0x34: {  	[smem:$0x3FBA] =	sst s10  }
0x35: {  	s10 =	sld [smem:$0x3FB9];
	_ =	sdelay $0x3  }
0x36: {  	p1 =	seq.s32 s10, $0x1;
	s10 =	sld [smem:$0x3FBA];
	_ =	sdelay $0x3  }
0x37: {  	[smem:$0x3FBA] =	sst s10  }
0x38: {  	s10 =	sld [smem:$0x3FBB]  }
0x39: {  	_ = 	snop;
	(pc) =	sbr.ind lr, $3  }
0x3a: {  	_ = 	snop  }
0x3b: {  	_ = 	snop  }
0x3c: {  	p2 =	seq.s32 s10, $0x1;
	s10 =	sld [smem:$0x3FBA]  }
0x3d: {  	_ =	shalt  }
0x3e: {  	_ =	shalt  }
0x3f: {  	_ =	shalt  }
0x40: {  	_ =	shalt  }
0x41: {  	_ =	shalt  }
0x42: {  	_ =	shalt  }
0x43: {  	_ =	shalt  }
0x44: {  	_ =	shalt  }
0x45: {  	_ =	shalt  }
0x46: {  	_ =	shalt  }
0x47: {  	_ =	shalt  }
0x48: {  	_ =	shalt  }
0x49: {  	_ =	shalt  }
0x4a: {  	_ =	shalt  }
0x4b: {  	_ =	shalt  }
0x4c: {  	_ =	shalt  }
0x4d: {  	_ =	shalt  }
0x4e: {  	_ =	shalt  }
0x4f: {  	_ =	shalt  }
0x50: {  	_ =	shalt  }
0x51: {  	_ =	shalt  }
0x52: {  	_ =	shalt  }
0x53: {  	_ =	shalt  }
0x54: {  	_ =	shalt  }
0x55: {  	_ =	shalt  }
0x56: {  	_ =	shalt  }
0x57: {  	_ =	shalt  }
0x58: {  	_ =	shalt  }
0x59: {  	_ =	shalt  }
0x5a: {  	_ =	shalt  }
0x5b: {  	_ =	shalt  }
0x5c: {  	_ =	shalt  }
0x5d: {  	_ =	shalt  }
0x5e: {  	_ =	shalt  }
0x5f: {  	_ =	shalt  }
0x60: {  	_ =	shalt  }
0x61: {  	_ =	shalt  }
0x62: {  	_ =	shalt  }
0x63: {  	_ =	shalt  }
0x64: {  	_ =	shalt  }
0x65: {  	_ =	shalt  }
0x66: {  	_ =	shalt  }
0x67: {  	_ =	shalt  }
0x68: {  	_ =	shalt  }
0x69: {  	_ =	shalt  }
0x6a: {  	_ =	shalt  }
0x6b: {  	_ =	shalt  }
0x6c: {  	_ =	shalt  }
0x6d: {  	_ =	shalt  }
0x6e: {  	_ =	shalt  }
0x6f: {  	_ =	shalt  }
0x70: {  	_ =	shalt  }
0x71: {  	_ =	shalt  }
0x72: {  	_ =	shalt  }
0x73: {  	_ =	shalt  }
0x74: {  	_ =	shalt  }
0x75: {  	_ =	shalt  }
0x76: {  	_ =	shalt  }
0x77: {  	_ =	shalt  }
0x78: {  	_ =	shalt  }
0x79: {  	_ =	shalt  }
0x7a: {  	_ =	shalt  }
0x7b: {  	_ =	shalt  }
0x7c: {  	_ =	shalt  }
0x7d: {  	_ =	shalt  }
0x7e: {  	_ =	shalt  }
0x7f: {  	_ =	shalt  }
0x80: {  	_ =	shalt  }
0x81: {  	_ =	shalt  }
0x82: {  	_ =	shalt  }
0x83: {  	_ =	shalt  }
0x84: {  	_ =	shalt  }
0x85: {  	_ =	shalt  }
0x86: {  	_ =	shalt  }
0x87: {  	_ =	shalt  }
.Lfunc_end0:
.L_simem_size_0:
called_computation_lowered:
.L_overlay_start_0:
0x88: {  	s2 =	sld [smem:$0x3FD9]  }
0x89: {  	s3 =	sld [smem:$0x3FFE];
	_ =	sdelay $0x1  }
0x8a: {  	s1 =	srdreg.scid  }
0x8b: {  	s0 =	sand.u32 $0x1, s1  }
0x8c: {  	s17 =	sshll.u32 s0, $0xA;
	s2 =	sadd.s32 s3, s2  }
0x8d: {  	s2 =	sadd.s32 s2, s17  }
0x8e: {  	[smem:$0x3FC6] =	sst s2  }
0x8f: {  	_ = 	snop  }
0x90: {  	s2 =	sld [smem:$0x3FC9]  }
0x91: {  	s18 =	sld [smem:$0x3FD0];
	(tm) =	ssettm $0x1  }
0x92: {  	s4 =	sld [smem:$0x3FFB];
	_ =	sdelay $0x3  }
0x93: {  	_ =	strace s4  }
0x94: {  	s4 =	sld [smem:$0x3FFC];
	_ =	sdelay $0x3  }
0x95: {  	_ =	strace s4  }
0x96: {  	s4 =	sld [smem:$0x3FFD];
	_ =	sdelay $0x3  }
0x97: {  	_ =	strace s4  }
0x98: {  	_ =	strace $0x8FFFFFFF  }
0x99: {  	s19 =	sld [smem:$0x3FDB];
	_ =	sdelay $0x1  }
0x9a: {  	s5 =	simm.s32 $_scs_section_size  }
0x9b: {  	s6 =	simm.s32 $_size__tile_overlayer_lowered;
	s7 =	simm.s32 $_tile_overlayer_lowered  }
0x9c: {  	s22 =	simm.s32 $0x1BFF;
	s21 =	sshll.u32 s7, $0x1;
	s4 =	sadd.s32 s5, s19  }
0x9d: {  	s8 =	simm.s32 $0x0;
	s20 =	sshll.u32 s6, $0x1;
	s6 =	sadd.s32 s21, s4  }
0x9e: {  	[timem:s8], [sflag:s22] =	dma.local [hbm:s6], s20  }
0x9f: {  	_ =	swait.ge [sflag:s22], s20  }
0xa0: {  	s5 =	ssub.s32 $0x0, s20;
	[sflag:s22] =	ssyncset.done $0x0  }
0xa1: {  	[sflag:s22] =	ssyncadd.s32 s5;
	_ =	sdelay $0x1  }
0xa2: {  	s23 =	simm.s32 $0x1B8B  }
0xa3: {  	_ =	swait.ge [sflag:s23], $0x1  }
0xa4: {  	[sflag:s23] =	ssyncset.done $0x0  }
0xa5: {  	s25 =	simm.s32 $0x1B8E;
	s24 =	sld [smem:$0x3FFE];
	[sflag:s23] =	ssyncadd.s32 $0xFFFFFFFF  }
0xa6: {  	s26 =	simm.s32 $execute0_lowered;
	[smem:$0x3FD2] =	sst s25  }
0xa7: {  	s6 =	sshll.u32 s26, $0x1;
	_ =	strace $0x80000046;
	[dreg:$0x1] =	wrdreg $0xFFFFFFFF  }
0xa8: {  	s28 =	simm.s32 $_size_execute0_lowered;
	s4 =	sadd.s32 s4, s6;
	[dreg:$0x0] =	wrdreg $0x0  }
0xa9: {  	s6 =	sshll.u32 s28, $0x1;
	[dreg:$0x2] =	wrdreg s4  }
0xaa: {  	[dreg:$0x3] =	wrdreg s6  }
0xab: {  	[dreg:$0x4] =	wrdreg $0xC0  }
0xac: {  	_ =	task [dreg:s8], $0x5FFFF  }
0xad: {  	[dreg:$0x1] =	wrdreg $0xFFFFFFFF  }
0xae: {  	[dreg:$0x0] =	wrdreg $0x60  }
0xaf: {  	[dreg:$0x2] =	wrdreg s2  }
0xb0: {  	[dreg:$0x3] =	wrdreg s24  }
0xb1: {  	[dreg:$0x4] =	wrdreg s18  }
0xb2: {  	[dreg:$0x5] =	wrdreg $0x9  }
0xb3: {  	_ =	task.clear_ibuf [dreg:s8], $0x6FFFF;
	_ =	strace $0x90000046  }
0xb4: {  	s29 =	simm.s32 $0x9;
	_ =	strace $0x80000048  }
0xb5: {  	_ =	swait.ge [sflag:s29], $0x1  }
0xb6: {  	[sflag:s29] =	ssyncadd.s32 $0xFFFFFFFF  }
0xb7: {  	_ =	strace $0x90000048  }
0xb8: {  	_ =	sfence  }
0xb9: {  	s30 =	sld [smem:$0x0];
	_ =	sdelay $0x2  }
0xba: {  	s31 =	sshll.u32 s1, $0xD;
	s1 =	sshrl.u32 s1, $0x2  }
0xbb: {  	s3 =	sand.u32 $0x4000, s31;
	s1 =	sadd.s32 s1, s30  }
0xbc: {  	s0 =	sor.u32 s3, s0;
	s1 =	sshll.u32 s1, $0x11  }
0xbd: {  	s0 =	sor.u32 s1, s0  }
0xbe: {  	s0 =	sadd.s32 $0x8F2B, s0  }
0xbf: {  	[sflag:s0] =	ssyncadd.remote.s32 $0x1  }
0xc0: {  	_ =	sfence.sel $0xFFFF  }
0xc1: {  	[dreg:$0x0] =	wrdreg $0xFFFFFFFF;
	(pc) =	sbr.abs _section_cstart, $3  }
0xc2: {  	[dreg:$0x1] =	wrdreg $0xFFFFFFFF  }
0xc3: {  	_ =	task.clear_ibuf [dreg:s8], $0x2FFFF;
	_ =	strace $0x9FFFFFFF  }
0xc4: {  	(tm) =	ssettm $0x7FFFFFFF  }
0xc5: {  	_ =	shalt  }
tec
execute0_lowered:
.L_overlay_start_1:
0x0: {  	(tag) =	ssettag $0x1  }
0x1: {  	s1 =	rddreg [dreg:$0x0]  }
0x2: {  	s2 =	srdreg.scid;
	s0 =	stileid.u32  }
0x3: {  	s4 =	rddreg [dreg:$0x1];
	s19 =	sand.u32 $0x1, s2;
	s30 =	sshll.u32 s0, $0x1  }
0x4: {  	s13 =	rddreg [dreg:$0x2];
	s12 =	sor.u32 s19, s30  }
0x5: {  	s3 =	simm.s32 $0x0;
	s2 =	rddreg [dreg:$0x3];
	s5 =	sshll.u32 s12, $0x7  }
0x6: {  	[smem:$0x7FF] =	sst s3;
	s4 =	sadd.s32 s5, s4  }
0x7: {  	_ =	strace $0x80000047;
	s5 =	sadd.s32 $0x400, s4;
	s4 =	simm.s32 $0x3  }
0x8: {  	[tilespmem:s3], [sflag:$0x3] =	stream.linear.gather [hbm4b:s5+s3], $0x280, $0x38;
	[tilespmem:$0x4400] =	vst v63  }
0x9: {  	_ =	swait.ge [sflag:s4], $0x280  }
0xa: {  	s6 =	simm.s32 $0x40;
	[sflag:s4] =	ssyncset.done $0x0  }
0xb: {  	s7 =	simm.s32 $0x400;
	s8 =	simm.s32 $0x1;
	[sflag:s4] =	ssyncadd.s32 $0xFFFFFD80  }
0xc: {  	[tilespmem:s7], [sflag:$0x1] =	stream.indirect.gather [hbm4b:s1+s6], $0x80, s3, s6, $0xb8;
	[tilespmem:$0x4400] =	vst v63  }
0xd: {  	_ =	swait.ge [sflag:s8], $0x2000  }
0xe: {  	s9 =	simm.s32 $0x80;
	[sflag:s8] =	ssyncset.done $0x0  }
0xf: {  	s10 =	simm.s32 $0x2400;
	s11 =	smul.u32 $0x1400, s12;
	[sflag:s8] =	ssyncadd.s32 $0xFFFFE000  }
0x10: {  	[tilespmem:s10], [sflag:$0x2] =	stream.indirect.gather [hbm4b:s1+s6], $0x80, s9, s6, $0xb8;
	[tilespmem:$0x4400] =	vst v63  }
0x11: {  	s11 =	sadd.s32 s13, s11  }
0x12: {  	[hbm4b:s11+s3] =	stream.linear.scatter [tilespmem:s7], [sflag:$0x3], $0x2000, $0x38;
	[tilespmem:$0x4400] =	vst v63  }
0x13: {  	_ =	swait.ge [sflag:s4], $0x2000  }
0x14: {  	[sflag:s4] =	ssyncset.done $0x0  }
0x15: {  	s14 =	smul.u32 $0xA000, s12;
	s12 =	simm.s32 $0x2;
	[sflag:s4] =	ssyncadd.s32 $0xFFFFE000  }
0x16: {  	_ =	swait.ge [sflag:s12], $0x2000  }
0x17: {  	s14 =	sshrl.u32 s14, $0x3;
	[sflag:s12] =	ssyncset.done $0x0  }
0x18: {  	s20 =	sadd.s32 s13, s14;
	s13 =	simm.s32 $0x100;
	[sflag:s12] =	ssyncadd.s32 $0xFFFFE000  }
0x19: {  	[tilespmem:s7], [sflag:$0x1] =	stream.indirect.gather [hbm4b:s1+s6], $0x80, s13, s6, $0xb8;
	[tilespmem:$0x4400] =	vst v63  }
0x1a: {  	s14 =	sadd.s32 $0x400, s20  }
0x1b: {  	[hbm4b:s14+s3] =	stream.linear.scatter [tilespmem:s10], [sflag:$0x3], $0x2000, $0x38;
	[tilespmem:$0x4400] =	vst v63  }
0x1c: {  	_ =	swait.ge [sflag:s4], $0x2000  }
0x1d: {  	[sflag:s4] =	ssyncset.done $0x0  }
0x1e: {  	[sflag:s4] =	ssyncadd.s32 $0xFFFFE000  }
0x1f: {  	_ =	swait.ge [sflag:s8], $0x2000  }
0x20: {  	[sflag:s8] =	ssyncset.done $0x0  }
0x21: {  	s15 =	simm.s32 $0x180;
	[sflag:s8] =	ssyncadd.s32 $0xFFFFE000  }
0x22: {  	[tilespmem:s10], [sflag:$0x2] =	stream.indirect.gather [hbm4b:s1+s6], $0x80, s15, s6, $0xb8;
	[tilespmem:$0x4400] =	vst v63  }
0x23: {  	s16 =	sadd.s32 $0x800, s20  }
0x24: {  	[hbm4b:s16+s3] =	stream.linear.scatter [tilespmem:s7], [sflag:$0x3], $0x2000, $0x38;
	[tilespmem:$0x4400] =	vst v63  }
0x25: {  	_ =	swait.ge [sflag:s4], $0x2000  }
0x26: {  	[sflag:s4] =	ssyncset.done $0x0  }
0x27: {  	[sflag:s4] =	ssyncadd.s32 $0xFFFFE000  }
0x28: {  	_ =	swait.ge [sflag:s12], $0x2000  }
0x29: {  	[sflag:s12] =	ssyncset.done $0x0  }
0x2a: {  	s17 =	simm.s32 $0x200;
	[sflag:s12] =	ssyncadd.s32 $0xFFFFE000  }
0x2b: {  	[tilespmem:s7], [sflag:$0x1] =	stream.indirect.gather [hbm4b:s1+s6], $0x80, s17, s6, $0xb8;
	[tilespmem:$0x4400] =	vst v63  }
0x2c: {  	s19 =	ssub.s32 $0x2, s19;
	s18 =	sadd.s32 $0xC00, s20  }
0x2d: {  	[hbm4b:s18+s3] =	stream.linear.scatter [tilespmem:s10], [sflag:$0x3], $0x2000, $0x38;
	[tilespmem:$0x4400] =	vst v63  }
0x2e: {  	s21 =	sshrl.u32 s19, $0x1;
	_ =	swait.ge [sflag:s4], $0x2000  }
0x2f: {  	s21 =	ssub.s32 s19, s21;
	[sflag:s4] =	ssyncset.done $0x0  }
0x30: {  	s31 =	smax.u32 s21, $0x1;
	[sflag:s4] =	ssyncadd.s32 $0xFFFFE000  }
0x31: {  	p0 =	sne.s32 s31, $0x1;
	_ =	swait.ge [sflag:s8], $0x2000  }
.Ltmp0:
0x32: {  	[sflag:s8] =	ssyncset.done $0x0;
	(pc) =	sbr.rel @!p0 .LBB2_2-.Ltmp0, $4  }
0x33: {  	s19 =	sadd.s32 $0x1000, s20;
	[sflag:s8] =	ssyncadd.s32 $0xFFFFE000  }
0x34: {  	[hbm4b:s19+s3] =	stream.linear.scatter [tilespmem:s7], [sflag:$0x3], $0x2000, $0x38;
	[tilespmem:$0x4400] =	vst v63  }
0x35: {  	_ =	swait.ge [sflag:s4], $0x2000  }
0x36: {  	s20 =	sadd.s32 $0xFFFFFFFF, s31;
	[sflag:s4] =	ssyncset.done $0x0  }
.LBB2_1:
0x37: {  	p0 =	sne.s32 s20, $0x1;
	s20 =	sadd.s32 $0xFFFFFFFF, s20;
	[sflag:s4] =	ssyncadd.s32 $0xFFFFE000  }
0x38: {  	[tilespmem:s3], [sflag:$0x3] =	stream.linear.gather [hbm4b:s5+s3], $0x280, $0x38;
	[tilespmem:$0x4400] =	vst v63  }
0x39: {  	_ =	swait.ge [sflag:s4], $0x280  }
0x3a: {  	[sflag:s4] =	ssyncset.done $0x0  }
0x3b: {  	[sflag:s4] =	ssyncadd.s32 $0xFFFFFD80  }
0x3c: {  	[tilespmem:s7], [sflag:$0x1] =	stream.indirect.gather [hbm4b:s1+s6], $0x80, s3, s6, $0xb8;
	[tilespmem:$0x4400] =	vst v63  }
0x3d: {  	_ =	swait.ge [sflag:s8], $0x2000  }
0x3e: {  	[sflag:s8] =	ssyncset.done $0x0  }
0x3f: {  	[sflag:s8] =	ssyncadd.s32 $0xFFFFE000  }
0x40: {  	[tilespmem:s10], [sflag:$0x2] =	stream.indirect.gather [hbm4b:s1+s6], $0x80, s9, s6, $0xb8;
	[tilespmem:$0x4400] =	vst v63  }
0x41: {  	_ = 	snop  }
0x42: {  	[hbm4b:s11+s3] =	stream.linear.scatter [tilespmem:s7], [sflag:$0x3], $0x2000, $0x38;
	[tilespmem:$0x4400] =	vst v63  }
0x43: {  	_ =	swait.ge [sflag:s4], $0x2000  }
0x44: {  	[sflag:s4] =	ssyncset.done $0x0  }
0x45: {  	[sflag:s4] =	ssyncadd.s32 $0xFFFFE000  }
0x46: {  	_ =	swait.ge [sflag:s12], $0x2000  }
0x47: {  	[sflag:s12] =	ssyncset.done $0x0  }
0x48: {  	[sflag:s12] =	ssyncadd.s32 $0xFFFFE000  }
0x49: {  	[tilespmem:s7], [sflag:$0x1] =	stream.indirect.gather [hbm4b:s1+s6], $0x80, s13, s6, $0xb8;
	[tilespmem:$0x4400] =	vst v63  }
0x4a: {  	_ = 	snop  }
0x4b: {  	[hbm4b:s14+s3] =	stream.linear.scatter [tilespmem:s10], [sflag:$0x3], $0x2000, $0x38;
	[tilespmem:$0x4400] =	vst v63  }
0x4c: {  	_ =	swait.ge [sflag:s4], $0x2000  }
0x4d: {  	[sflag:s4] =	ssyncset.done $0x0  }
0x4e: {  	[sflag:s4] =	ssyncadd.s32 $0xFFFFE000  }
0x4f: {  	_ =	swait.ge [sflag:s8], $0x2000  }
0x50: {  	[sflag:s8] =	ssyncset.done $0x0  }
0x51: {  	[sflag:s8] =	ssyncadd.s32 $0xFFFFE000  }
0x52: {  	[tilespmem:s10], [sflag:$0x2] =	stream.indirect.gather [hbm4b:s1+s6], $0x80, s15, s6, $0xb8;
	[tilespmem:$0x4400] =	vst v63  }
0x53: {  	_ = 	snop  }
0x54: {  	[hbm4b:s16+s3] =	stream.linear.scatter [tilespmem:s7], [sflag:$0x3], $0x2000, $0x38;
	[tilespmem:$0x4400] =	vst v63  }
0x55: {  	_ =	swait.ge [sflag:s4], $0x2000  }
0x56: {  	[sflag:s4] =	ssyncset.done $0x0  }
0x57: {  	[sflag:s4] =	ssyncadd.s32 $0xFFFFE000  }
0x58: {  	_ =	swait.ge [sflag:s12], $0x2000  }
0x59: {  	[sflag:s12] =	ssyncset.done $0x0  }
0x5a: {  	[sflag:s12] =	ssyncadd.s32 $0xFFFFE000  }
0x5b: {  	[tilespmem:s7], [sflag:$0x1] =	stream.indirect.gather [hbm4b:s1+s6], $0x80, s17, s6, $0xb8;
	[tilespmem:$0x4400] =	vst v63  }
0x5c: {  	_ = 	snop  }
0x5d: {  	[hbm4b:s18+s3] =	stream.linear.scatter [tilespmem:s10], [sflag:$0x3], $0x2000, $0x38;
	[tilespmem:$0x4400] =	vst v63  }
0x5e: {  	_ =	swait.ge [sflag:s4], $0x2000  }
0x5f: {  	[sflag:s4] =	ssyncset.done $0x0  }
0x60: {  	[sflag:s4] =	ssyncadd.s32 $0xFFFFE000  }
0x61: {  	_ =	swait.ge [sflag:s8], $0x2000  }
.Ltmp1:
0x62: {  	[sflag:s8] =	ssyncset.done $0x0;
	(pc) =	sbr.rel @p0 .LBB2_1-.Ltmp1, $4  }
0x63: {  	[sflag:s8] =	ssyncadd.s32 $0xFFFFE000  }
0x64: {  	[hbm4b:s19+s3] =	stream.linear.scatter [tilespmem:s7], [sflag:$0x3], $0x2000, $0x38;
	[tilespmem:$0x4400] =	vst v63  }
0x65: {  	_ =	swait.ge [sflag:s4], $0x2000  }
0x66: {  	[sflag:s4] =	ssyncset.done $0x0  }
.LBB2_2:
0x67: {  	[sflag:s4] =	ssyncadd.s32 $0xFFFFE000  }
0x68: {  	_ =	sfence.sel $0x180000  }
0x69: {  	[bflag:$0x0] =	sbarrier.arrive $0xFFFF  }
0x6a: {  	p0 =	sne.s32 s0, $0x0;
	_ =	strace $0x90000047  }
0x6b: {  	s0 =	sadd.s32 @!p0 $0x100000, s2;
	[bflag:$0x2] =	sbarrier.arrive $0xFFFF  }
0x6c: {  	[sflag:s0] =	ssyncadd.tile.s32 @!p0 $0x1;
	_ =	shalt  }
.Lfunc_end2:
_tile_overlayer_lowered:
.L_overlay_start_2:
0x6d: {  	(tag) =	ssettag $0x2  }
0x6e: {  	s0 =	rddreg [dreg:$0x0];
	s2 =	stileid.u32  }
0x6f: {  	s1 =	rddreg [dreg:$0x1];
	p0 =	sne.s32 s2, $0x0  }
0x70: {  	s3 =	rddreg [dreg:$0x2];
	[bflag:$0x3] =	sbarrier.arrive $0xFFFF;
	s2 =	simm.s32 @!p0 $0x1C03  }
0x71: {  	[timem:s3], [sflag:s2] =	dma.local @!p0 [hbm:s0], s1  }
0x72: {  	s0 =	simm.s32 @!p0 $0x3  }
0x73: {  	_ =	swait.ge @!p0 [sflag:s0], s1  }
0x74: {  	s1 =	ssub.s32 @!p0 $0x0, s1;
	[sflag:s0] =	ssyncset.done @!p0 $0x0  }
0x75: {  	[sflag:s0] =	ssyncadd.s32 @!p0 s1  }
0x76: {  	[bflag:$0x3] =	sbarrier.arrive $0xFFFF  }
0x77: {  	_ =	shalt  }

</sc_bundles>
